<compile_context>
chip_gen: v7x
topology: tpu7x:2x2x1
jax: 0.10.2.dev20260603
libtpu: 0.0.44.dev20260713+nightly
codegen_flags: <defaults>
</compile_context>

<pallas_src>
import functools

import jax
import jax.numpy as jnp
from jax import lax
from jax.experimental import pallas as pl
from jax.experimental.pallas import tpu as pltpu
from jax.experimental.pallas import tpu_sc as plsc

N_ROWS = 16384
D = 64
N_CODES = 8192

BZ = 1024
BC = 2048
NB = N_ROWS // BZ
NCHUNK = N_CODES // BC


def _tc_body(z_ref, cb_ref, cn_ref, idx_ref, loss_ref):
    i = pl.program_id(0)
    zb = z_ref[...]
    znorm = jnp.sum(zb * zb, axis=1, keepdims=True)

    iot = lax.broadcasted_iota(jnp.int32, (BZ, BC), 1)

    def chunk_min(j):
        cb = cb_ref[pl.ds(j * BC, BC), :]
        cn = cn_ref[:, pl.ds(j * BC, BC)]
        scores = lax.dot_general(zb, cb, (((1,), (1,)), ((), ())),
                                 preferred_element_type=jnp.float32)
        d = (znorm + cn) - 2.0 * scores
        m = jnp.min(d, axis=1, keepdims=True)
        a = jnp.min(jnp.where(d == m, iot, jnp.int32(BC)),
                    axis=1, keepdims=True) + j * BC
        return m, a

    def merge(mv_a, mv_b):
        (m_a, a_a), (m_b, a_b) = mv_a, mv_b
        upd = m_b < m_a
        return jnp.where(upd, m_b, m_a), jnp.where(upd, a_b, a_a)

    half1 = merge(chunk_min(0), chunk_min(1))
    half2 = merge(chunk_min(2), chunk_min(3))

    m1b = half1[0].astype(jnp.bfloat16).astype(jnp.float32)
    take2 = half2[0] < m1b
    best_idx = jnp.where(take2, half2[1], half1[1])
    best_val = jnp.where(take2, half2[0], half1[0])

    idx_ref[...] = best_idx

    @pl.when(i == 0)
    def _init():
        loss_ref[...] = jnp.zeros_like(loss_ref)

    loss_ref[...] += jnp.sum(best_val, keepdims=True).reshape(1, 1)


def _tc_stage(z, codebook, cnorm):
    return pl.pallas_call(
        _tc_body,
        grid=(NB,),
        in_specs=[
            pl.BlockSpec((BZ, D), lambda i: (i, 0)),
            pl.BlockSpec((N_CODES, D), lambda i: (0, 0)),
            pl.BlockSpec((1, N_CODES), lambda i: (0, 0)),
        ],
        out_specs=[
            pl.BlockSpec((BZ, 1), lambda i: (i, 0)),
            pl.BlockSpec((1, 1), lambda i: (0, 0)),
        ],
        out_shape=[
            jax.ShapeDtypeStruct((N_ROWS, 1), jnp.int32),
            jax.ShapeDtypeStruct((1, 1), jnp.float32),
        ],
    )(z, codebook, cnorm)


_NC, _NS = 2, 16
_NW = _NC * _NS
_BPW = N_ROWS // _NW
_IDX_CHUNK = 128
_NCH = _BPW // _IDX_CHUNK


def _sc_gather_body(cb_hbm, idx_hbm, out_hbm, idx_v, rows_v, sem):
    wid = lax.axis_index("s") * _NC + lax.axis_index("c")
    base = wid * _BPW
    pltpu.sync_copy(idx_hbm.at[pl.ds(wid * _NCH, _NCH), :], idx_v)
    copies = [
        pltpu.async_copy(cb_hbm.at[idx_v.at[j]],
                         rows_v.at[pl.ds(j * _IDX_CHUNK, _IDX_CHUNK)], sem)
        for j in range(_NCH)
    ]
    for cp in copies:
        cp.wait()
    pltpu.sync_copy(rows_v, out_hbm.at[pl.ds(base, _BPW), :])


@functools.lru_cache(maxsize=1)
def _sc_gather():
    return pl.kernel(
        _sc_gather_body,
        mesh=plsc.VectorSubcoreMesh(core_axis_name="c", subcore_axis_name="s"),
        compiler_params=pltpu.CompilerParams(use_tc_tiling_on_sc=False),
        out_type=jax.ShapeDtypeStruct((N_ROWS, D), jnp.float32),
        scratch_types=[
            pltpu.VMEM((_NCH, _IDX_CHUNK), jnp.int32),
            pltpu.VMEM((_BPW, D), jnp.float32),
            pltpu.SemaphoreType.DMA,
        ],
    )


def kernel(z, codebook):
    cnorm = jnp.sum(codebook ** 2, axis=-1).reshape(1, N_CODES)
    idx2d, loss_sum = _tc_stage(z, codebook, cnorm)
    idx = idx2d.reshape(N_ROWS)
    z_q = _sc_gather()(codebook, idx2d.reshape(N_ROWS // _IDX_CHUNK, _IDX_CHUNK))
    loss = 0.25 * loss_sum[0, 0] / (N_ROWS * D)
    return (z_q, loss, idx)

# --- scband reference (transcript-rebuilt; emitter-appended) ---
"""Pipeline reference for scband-vector-quantizer-31001073943027 (READ-ONLY COPY).

The authoritative reference and input builder live on the scoring server;
editing this copy changes nothing except your own understanding.
"""

import jax, jax.numpy as jnp
import numpy as np


def setup_inputs(seed: int = 0) -> dict:
    key = jax.random.key(seed)
    k1, k2 = jax.random.split(key)
    z = jax.random.normal(k1, (16384, 64), dtype=jnp.float32)
    codebook = jax.random.normal(k2, (8192, 64), dtype=jnp.float32)
    return {"z": z, "codebook": codebook}


def reference(z, codebook):
    # Faithful eval-mode forward of VectorQuantizer (EMA buffer updates are
    # training-only side effects and are skipped, matching module.eval()).
    commitment_cost = 0.25
    dists = (
        jnp.sum(z ** 2, axis=-1, keepdims=True)
        + jnp.sum(codebook ** 2, axis=-1)
        - 2.0 * z @ codebook.T
    )
    indices = jnp.argmin(dists, axis=-1)
    z_q = codebook[indices]
    commitment_loss = commitment_cost * jnp.mean((z - jax.lax.stop_gradient(z_q)) ** 2)
    z_q_st = z + jax.lax.stop_gradient(z_q - z)
    return (z_q_st, commitment_loss, indices)

if __name__ == "__main__":
    import jax
    _d = setup_inputs()
    print(jax.jit(kernel)(*tuple(_d.values())))

</pallas_src>

<mosaic_0001>
#map = affine_map<(d0, d1) -> (0, 0)>
module attributes {stable_mosaic.version = 14 : i64} {
  func.func @_sc_gather_body(%arg0: i32, %arg1: i32, %arg2: memref<8192x64xf32, #tpu.memory_space<hbm>>, %arg3: memref<128x128xi32, #tpu.memory_space<hbm>>, %arg4: memref<16384x64xf32, #tpu.memory_space<hbm>>, %arg5: memref<4x128xi32, #tpu.memory_space<vmem>>, %arg6: memref<512x64xf32, #tpu.memory_space<vmem>>, %arg7: memref<!tpu.dma_semaphore, #tpu.memory_space<semaphore_mem>>) attributes {dimension_semantics = [#tpu.dimension_semantics<core_parallel>, #tpu.dimension_semantics<subcore_parallel>], iteration_bounds = array<i64: 2, 16>, scalar_prefetch = 0 : i64, scratch_operands = 3 : i64, tpu.core_type = #tpu.core_type<sc_vector_subcore>, window_params = [{transform_indices = #map}, {transform_indices = #map}, {transform_indices = #map}]} {
    %mul3A = arith.constant 2 : i32
    %mul3A_0 = arith.muli %arg1, %mul3A : i32
    %add3A = arith.addi %mul3A_0, %arg0 : i32
    %mul3A_1 = arith.constant 512 : i32
    %mul3A_2 = arith.muli %add3A, %mul3A_1 : i32
    %mul3A_3 = arith.constant 4 : i32
    %mul3A_4 = arith.muli %add3A, %mul3A_3 : i32
    "tpu.region"() ({
      %run_scoped3A = tpu.sem_alloc : memref<!tpu.dma_semaphore, #tpu.memory_space<semaphore_mem>>
      %dma_start3A_83 = arith.constant 0 : i32
      %dma_start3A_84 = tpu.memref_slice %arg3[%mul3A_4, %dma_start3A_83] : memref<128x128xi32, #tpu.memory_space<hbm>> -> memref<4x128xi32, #tpu.memory_space<hbm>>
      %dma_start3A_85 = arith.constant 0 : i32
      %dma_start3A_86 = tpu.memref_slice %arg3[%mul3A_4, %dma_start3A_85] : memref<128x128xi32, #tpu.memory_space<hbm>> -> memref<4x128xi32, #tpu.memory_space<hbm>>
      tpu.enqueue_dma source(%dma_start3A_86 : memref<4x128xi32, #tpu.memory_space<hbm>>) target(%arg5 : memref<4x128xi32, #tpu.memory_space<vmem>>) target_semaphore(%run_scoped3A : memref<!tpu.dma_semaphore, #tpu.memory_space<semaphore_mem>>)
      %dma_wait3A_87 = arith.constant 0 : i32
      %dma_wait3A_88 = tpu.memref_slice %arg3[%mul3A_4, %dma_wait3A_87] : memref<128x128xi32, #tpu.memory_space<hbm>> -> memref<4x128xi32, #tpu.memory_space<hbm>>
      %dma_wait3A_89 = arith.constant 0 : i32
      %dma_wait3A_90 = tpu.memref_slice %arg3[%mul3A_4, %dma_wait3A_89] : memref<128x128xi32, #tpu.memory_space<hbm>> -> memref<4x128xi32, #tpu.memory_space<hbm>>
      tpu.wait_dma2 semaphore(%run_scoped3A : memref<!tpu.dma_semaphore, #tpu.memory_space<semaphore_mem>>) src(%dma_wait3A_90 : memref<4x128xi32, #tpu.memory_space<hbm>>) dst(%arg5 : memref<4x128xi32, #tpu.memory_space<vmem>>)
      tpu.yield
    }) : () -> ()
    %dma_start3A = arith.constant 0 : i32
    %dma_start3A_5 = arith.constant 0 : i32
    %dma_start3A_6 = arith.constant 0 : i32
    %dma_start3A_7 = tpu.memref_slice %arg6[%dma_start3A_5, %dma_start3A_6] : memref<512x64xf32, #tpu.memory_space<vmem>> -> memref<128x64xf32, #tpu.memory_space<vmem>>
    %dma_start3A_8 = arith.constant 0 : i32
    %dma_start3A_9 = tpu.memref_slice %arg5[%dma_start3A, %dma_start3A_8] : memref<4x128xi32, #tpu.memory_space<vmem>> -> memref<1x128xi32, #tpu.memory_space<vmem>>
    %dma_start3A_10 = tpu.memref_squeeze %dma_start3A_9 : memref<1x128xi32, #tpu.memory_space<vmem>> -> memref<128xi32, #tpu.memory_space<vmem>>
    %dma_start3A_11 = arith.constant 0 : i32
    %dma_start3A_12 = arith.constant 0 : i32
    %dma_start3A_13 = tpu.memref_slice %arg2[%dma_start3A_11, %dma_start3A_12] : memref<8192x64xf32, #tpu.memory_space<hbm>> -> memref<8192x64xf32, #tpu.memory_space<hbm>>
    tpu.enqueue_indirect_dma source(%dma_start3A_13 : memref<8192x64xf32, #tpu.memory_space<hbm>>) target(%dma_start3A_7 : memref<128x64xf32, #tpu.memory_space<vmem>>) offsets(%dma_start3A_10 : memref<128xi32, #tpu.memory_space<vmem>>) semaphore(%arg7 : memref<!tpu.dma_semaphore, #tpu.memory_space<semaphore_mem>>)
    %dma_start3A_14 = arith.constant 1 : i32
    %dma_start3A_15 = arith.constant 128 : i32
    %dma_start3A_16 = arith.constant 0 : i32
    %dma_start3A_17 = tpu.memref_slice %arg6[%dma_start3A_15, %dma_start3A_16] : memref<512x64xf32, #tpu.memory_space<vmem>> -> memref<128x64xf32, #tpu.memory_space<vmem>>
    %dma_start3A_18 = arith.constant 0 : i32
    %dma_start3A_19 = tpu.memref_slice %arg5[%dma_start3A_14, %dma_start3A_18] : memref<4x128xi32, #tpu.memory_space<vmem>> -> memref<1x128xi32, #tpu.memory_space<vmem>>
    %dma_start3A_20 = tpu.memref_squeeze %dma_start3A_19 : memref<1x128xi32, #tpu.memory_space<vmem>> -> memref<128xi32, #tpu.memory_space<vmem>>
    %dma_start3A_21 = arith.constant 0 : i32
    %dma_start3A_22 = arith.constant 0 : i32
    %dma_start3A_23 = tpu.memref_slice %arg2[%dma_start3A_21, %dma_start3A_22] : memref<8192x64xf32, #tpu.memory_space<hbm>> -> memref<8192x64xf32, #tpu.memory_space<hbm>>
    tpu.enqueue_indirect_dma source(%dma_start3A_23 : memref<8192x64xf32, #tpu.memory_space<hbm>>) target(%dma_start3A_17 : memref<128x64xf32, #tpu.memory_space<vmem>>) offsets(%dma_start3A_20 : memref<128xi32, #tpu.memory_space<vmem>>) semaphore(%arg7 : memref<!tpu.dma_semaphore, #tpu.memory_space<semaphore_mem>>)
    %dma_start3A_24 = arith.constant 2 : i32
    %dma_start3A_25 = arith.constant 256 : i32
    %dma_start3A_26 = arith.constant 0 : i32
    %dma_start3A_27 = tpu.memref_slice %arg6[%dma_start3A_25, %dma_start3A_26] : memref<512x64xf32, #tpu.memory_space<vmem>> -> memref<128x64xf32, #tpu.memory_space<vmem>>
    %dma_start3A_28 = arith.constant 0 : i32
    %dma_start3A_29 = tpu.memref_slice %arg5[%dma_start3A_24, %dma_start3A_28] : memref<4x128xi32, #tpu.memory_space<vmem>> -> memref<1x128xi32, #tpu.memory_space<vmem>>
    %dma_start3A_30 = tpu.memref_squeeze %dma_start3A_29 : memref<1x128xi32, #tpu.memory_space<vmem>> -> memref<128xi32, #tpu.memory_space<vmem>>
    %dma_start3A_31 = arith.constant 0 : i32
    %dma_start3A_32 = arith.constant 0 : i32
    %dma_start3A_33 = tpu.memref_slice %arg2[%dma_start3A_31, %dma_start3A_32] : memref<8192x64xf32, #tpu.memory_space<hbm>> -> memref<8192x64xf32, #tpu.memory_space<hbm>>
    tpu.enqueue_indirect_dma source(%dma_start3A_33 : memref<8192x64xf32, #tpu.memory_space<hbm>>) target(%dma_start3A_27 : memref<128x64xf32, #tpu.memory_space<vmem>>) offsets(%dma_start3A_30 : memref<128xi32, #tpu.memory_space<vmem>>) semaphore(%arg7 : memref<!tpu.dma_semaphore, #tpu.memory_space<semaphore_mem>>)
    %dma_start3A_34 = arith.constant 3 : i32
    %dma_start3A_35 = arith.constant 384 : i32
    %dma_start3A_36 = arith.constant 0 : i32
    %dma_start3A_37 = tpu.memref_slice %arg6[%dma_start3A_35, %dma_start3A_36] : memref<512x64xf32, #tpu.memory_space<vmem>> -> memref<128x64xf32, #tpu.memory_space<vmem>>
    %dma_start3A_38 = arith.constant 0 : i32
    %dma_start3A_39 = tpu.memref_slice %arg5[%dma_start3A_34, %dma_start3A_38] : memref<4x128xi32, #tpu.memory_space<vmem>> -> memref<1x128xi32, #tpu.memory_space<vmem>>
    %dma_start3A_40 = tpu.memref_squeeze %dma_start3A_39 : memref<1x128xi32, #tpu.memory_space<vmem>> -> memref<128xi32, #tpu.memory_space<vmem>>
    %dma_start3A_41 = arith.constant 0 : i32
    %dma_start3A_42 = arith.constant 0 : i32
    %dma_start3A_43 = tpu.memref_slice %arg2[%dma_start3A_41, %dma_start3A_42] : memref<8192x64xf32, #tpu.memory_space<hbm>> -> memref<8192x64xf32, #tpu.memory_space<hbm>>
    tpu.enqueue_indirect_dma source(%dma_start3A_43 : memref<8192x64xf32, #tpu.memory_space<hbm>>) target(%dma_start3A_37 : memref<128x64xf32, #tpu.memory_space<vmem>>) offsets(%dma_start3A_40 : memref<128xi32, #tpu.memory_space<vmem>>) semaphore(%arg7 : memref<!tpu.dma_semaphore, #tpu.memory_space<semaphore_mem>>)
    %dma_wait3A = arith.constant 0 : i32
    %dma_wait3A_44 = arith.constant 0 : i32
    %dma_wait3A_45 = arith.constant 0 : i32
    %dma_wait3A_46 = tpu.memref_slice %arg6[%dma_wait3A_44, %dma_wait3A_45] : memref<512x64xf32, #tpu.memory_space<vmem>> -> memref<128x64xf32, #tpu.memory_space<vmem>>
    %dma_wait3A_47 = arith.constant 0 : i32
    %dma_wait3A_48 = tpu.memref_slice %arg5[%dma_wait3A, %dma_wait3A_47] : memref<4x128xi32, #tpu.memory_space<vmem>> -> memref<1x128xi32, #tpu.memory_space<vmem>>
    %dma_wait3A_49 = tpu.memref_squeeze %dma_wait3A_48 : memref<1x128xi32, #tpu.memory_space<vmem>> -> memref<128xi32, #tpu.memory_space<vmem>>
    %dma_wait3A_50 = arith.constant 0 : i32
    %dma_wait3A_51 = arith.constant 0 : i32
    %dma_wait3A_52 = tpu.memref_slice %arg2[%dma_wait3A_50, %dma_wait3A_51] : memref<8192x64xf32, #tpu.memory_space<hbm>> -> memref<8192x64xf32, #tpu.memory_space<hbm>>
    tpu.wait_indirect_dma semaphore(%arg7 : memref<!tpu.dma_semaphore, #tpu.memory_space<semaphore_mem>>) src(%dma_wait3A_52 : memref<8192x64xf32, #tpu.memory_space<hbm>>) dst(%dma_wait3A_46 : memref<128x64xf32, #tpu.memory_space<vmem>>)
    %dma_wait3A_53 = arith.constant 1 : i32
    %dma_wait3A_54 = arith.constant 128 : i32
    %dma_wait3A_55 = arith.constant 0 : i32
    %dma_wait3A_56 = tpu.memref_slice %arg6[%dma_wait3A_54, %dma_wait3A_55] : memref<512x64xf32, #tpu.memory_space<vmem>> -> memref<128x64xf32, #tpu.memory_space<vmem>>
    %dma_wait3A_57 = arith.constant 0 : i32
    %dma_wait3A_58 = tpu.memref_slice %arg5[%dma_wait3A_53, %dma_wait3A_57] : memref<4x128xi32, #tpu.memory_space<vmem>> -> memref<1x128xi32, #tpu.memory_space<vmem>>
    %dma_wait3A_59 = tpu.memref_squeeze %dma_wait3A_58 : memref<1x128xi32, #tpu.memory_space<vmem>> -> memref<128xi32, #tpu.memory_space<vmem>>
    %dma_wait3A_60 = arith.constant 0 : i32
    %dma_wait3A_61 = arith.constant 0 : i32
    %dma_wait3A_62 = tpu.memref_slice %arg2[%dma_wait3A_60, %dma_wait3A_61] : memref<8192x64xf32, #tpu.memory_space<hbm>> -> memref<8192x64xf32, #tpu.memory_space<hbm>>
    tpu.wait_indirect_dma semaphore(%arg7 : memref<!tpu.dma_semaphore, #tpu.memory_space<semaphore_mem>>) src(%dma_wait3A_62 : memref<8192x64xf32, #tpu.memory_space<hbm>>) dst(%dma_wait3A_56 : memref<128x64xf32, #tpu.memory_space<vmem>>)
    %dma_wait3A_63 = arith.constant 2 : i32
    %dma_wait3A_64 = arith.constant 256 : i32
    %dma_wait3A_65 = arith.constant 0 : i32
    %dma_wait3A_66 = tpu.memref_slice %arg6[%dma_wait3A_64, %dma_wait3A_65] : memref<512x64xf32, #tpu.memory_space<vmem>> -> memref<128x64xf32, #tpu.memory_space<vmem>>
    %dma_wait3A_67 = arith.constant 0 : i32
    %dma_wait3A_68 = tpu.memref_slice %arg5[%dma_wait3A_63, %dma_wait3A_67] : memref<4x128xi32, #tpu.memory_space<vmem>> -> memref<1x128xi32, #tpu.memory_space<vmem>>
    %dma_wait3A_69 = tpu.memref_squeeze %dma_wait3A_68 : memref<1x128xi32, #tpu.memory_space<vmem>> -> memref<128xi32, #tpu.memory_space<vmem>>
    %dma_wait3A_70 = arith.constant 0 : i32
    %dma_wait3A_71 = arith.constant 0 : i32
    %dma_wait3A_72 = tpu.memref_slice %arg2[%dma_wait3A_70, %dma_wait3A_71] : memref<8192x64xf32, #tpu.memory_space<hbm>> -> memref<8192x64xf32, #tpu.memory_space<hbm>>
    tpu.wait_indirect_dma semaphore(%arg7 : memref<!tpu.dma_semaphore, #tpu.memory_space<semaphore_mem>>) src(%dma_wait3A_72 : memref<8192x64xf32, #tpu.memory_space<hbm>>) dst(%dma_wait3A_66 : memref<128x64xf32, #tpu.memory_space<vmem>>)
    %dma_wait3A_73 = arith.constant 3 : i32
    %dma_wait3A_74 = arith.constant 384 : i32
    %dma_wait3A_75 = arith.constant 0 : i32
    %dma_wait3A_76 = tpu.memref_slice %arg6[%dma_wait3A_74, %dma_wait3A_75] : memref<512x64xf32, #tpu.memory_space<vmem>> -> memref<128x64xf32, #tpu.memory_space<vmem>>
    %dma_wait3A_77 = arith.constant 0 : i32
    %dma_wait3A_78 = tpu.memref_slice %arg5[%dma_wait3A_73, %dma_wait3A_77] : memref<4x128xi32, #tpu.memory_space<vmem>> -> memref<1x128xi32, #tpu.memory_space<vmem>>
    %dma_wait3A_79 = tpu.memref_squeeze %dma_wait3A_78 : memref<1x128xi32, #tpu.memory_space<vmem>> -> memref<128xi32, #tpu.memory_space<vmem>>
    %dma_wait3A_80 = arith.constant 0 : i32
    %dma_wait3A_81 = arith.constant 0 : i32
    %dma_wait3A_82 = tpu.memref_slice %arg2[%dma_wait3A_80, %dma_wait3A_81] : memref<8192x64xf32, #tpu.memory_space<hbm>> -> memref<8192x64xf32, #tpu.memory_space<hbm>>
    tpu.wait_indirect_dma semaphore(%arg7 : memref<!tpu.dma_semaphore, #tpu.memory_space<semaphore_mem>>) src(%dma_wait3A_82 : memref<8192x64xf32, #tpu.memory_space<hbm>>) dst(%dma_wait3A_76 : memref<128x64xf32, #tpu.memory_space<vmem>>)
    "tpu.region"() ({
      %run_scoped3A = tpu.sem_alloc : memref<!tpu.dma_semaphore, #tpu.memory_space<semaphore_mem>>
      %dma_start3A_83 = arith.constant 0 : i32
      %dma_start3A_84 = tpu.memref_slice %arg4[%mul3A_2, %dma_start3A_83] : memref<16384x64xf32, #tpu.memory_space<hbm>> -> memref<512x64xf32, #tpu.memory_space<hbm>>
      %dma_start3A_85 = arith.constant 0 : i32
      %dma_start3A_86 = tpu.memref_slice %arg4[%mul3A_2, %dma_start3A_85] : memref<16384x64xf32, #tpu.memory_space<hbm>> -> memref<512x64xf32, #tpu.memory_space<hbm>>
      tpu.enqueue_dma source(%arg6 : memref<512x64xf32, #tpu.memory_space<vmem>>) target(%dma_start3A_86 : memref<512x64xf32, #tpu.memory_space<hbm>>) target_semaphore(%run_scoped3A : memref<!tpu.dma_semaphore, #tpu.memory_space<semaphore_mem>>)
      %dma_wait3A_87 = arith.constant 0 : i32
      %dma_wait3A_88 = tpu.memref_slice %arg4[%mul3A_2, %dma_wait3A_87] : memref<16384x64xf32, #tpu.memory_space<hbm>> -> memref<512x64xf32, #tpu.memory_space<hbm>>
      %dma_wait3A_89 = arith.constant 0 : i32
      %dma_wait3A_90 = tpu.memref_slice %arg4[%mul3A_2, %dma_wait3A_89] : memref<16384x64xf32, #tpu.memory_space<hbm>> -> memref<512x64xf32, #tpu.memory_space<hbm>>
      tpu.wait_dma2 semaphore(%run_scoped3A : memref<!tpu.dma_semaphore, #tpu.memory_space<semaphore_mem>>) src(%arg6 : memref<512x64xf32, #tpu.memory_space<vmem>>) dst(%dma_wait3A_90 : memref<512x64xf32, #tpu.memory_space<hbm>>)
      tpu.yield
    }) : () -> ()
    return
  }
}

module attributes {stable_mosaic.version = 14 : i64} {
  func.func @_tc_body(%arg0: i32, %arg1: memref<1024x64xf32, #tpu.memory_space<vmem>>, %arg2: memref<8192x64xf32, #tpu.memory_space<vmem>>, %arg3: memref<1x8192xf32, #tpu.memory_space<vmem>>, %arg4: memref<1024x1xi32, #tpu.memory_space<vmem>>, %arg5: memref<1x1xf32, #tpu.memory_space<vmem>>) attributes {dimension_semantics = [#tpu.dimension_semantics<arbitrary>], iteration_bounds = array<i64: 16>, scalar_prefetch = 0 : i64, scratch_operands = 0 : i64, tpu.core_type = #tpu.core_type<tc>, window_params = [{transform_indices = @transform_0, window_bounds = array<i64: 1024, 64>}, {pipeline_mode = #tpu.pipeline_mode<synchronous>, transform_indices = @transform_1, window_bounds = array<i64: 8192, 64>}, {pipeline_mode = #tpu.pipeline_mode<synchronous>, transform_indices = @transform_2, window_bounds = array<i64: 1, 8192>}, {transform_indices = @transform_3, window_bounds = array<i64: 1024, 1>}, {pipeline_mode = #tpu.pipeline_mode<synchronous>, transform_indices = @transform_4, window_bounds = array<i64: 1, 1>}]} {
    %get3A = arith.constant 0 : index
    %get3A_0 = arith.constant 0 : index
    %get3A_1 = vector.load %arg1[%get3A, %get3A_0] : memref<1024x64xf32, #tpu.memory_space<vmem>>, vector<1024x64xf32>
    %mul3A = arith.mulf %get3A_1, %get3A_1 : vector<1024x64xf32>
    %reduce_sum3A = arith.constant dense<0.000000e+00> : vector<1024xf32>
    %reduce_sum3A_2 = vector.multi_reduction <add>, %mul3A, %reduce_sum3A [1] : vector<1024x64xf32> to vector<1024xf32>
    %broadcast_in_dim3A = vector.shape_cast %reduce_sum3A_2 : vector<1024xf32> to vector<1024x1xf32>
    %iota3A = tpu.iota {dimensions = array<i32: 1>} : vector<1024x2048xi32>
    %get3A_3 = arith.constant 0 : index
    %get3A_4 = arith.constant 0 : index
    %get3A_5 = vector.load %arg2[%get3A_3, %get3A_4] : memref<8192x64xf32, #tpu.memory_space<vmem>>, vector<2048x64xf32>
    %get3A_6 = arith.constant 0 : index
    %get3A_7 = arith.constant 0 : index
    %get3A_8 = vector.load %arg3[%get3A_6, %get3A_7] : memref<1x8192xf32, #tpu.memory_space<vmem>>, vector<1x2048xf32>
    %dot_general3A = arith.constant dense<0.000000e+00> : vector<1024x2048xf32>
    %dot_general3A_9 = tpu.matmul %get3A_1, %get3A_5, %dot_general3A {dimension_numbers = #tpu.dot_dimension_numbers<[1], [1], [0], [0], [0, 0, 1, 0], [], []>, transpose_lhs_hint = false} : vector<1024x64xf32>, vector<2048x64xf32>, vector<1024x2048xf32> -> vector<1024x2048xf32>
    %add3A = vector.broadcast %broadcast_in_dim3A : vector<1024x1xf32> to vector<1024x2048xf32>
    %add3A_10 = vector.broadcast %get3A_8 : vector<1x2048xf32> to vector<1024x2048xf32>
    %add3A_11 = arith.addf %add3A, %add3A_10 : vector<1024x2048xf32>
    %mul3A_12 = arith.constant 2.000000e+00 : f32
    %mul3A_13 = vector.broadcast %mul3A_12 : f32 to vector<1024x2048xf32>
    %mul3A_14 = arith.mulf %mul3A_13, %dot_general3A_9 : vector<1024x2048xf32>
    %sub3A = arith.subf %add3A_11, %mul3A_14 : vector<1024x2048xf32>
    %reduce_min3A = arith.constant dense<0x7F800000> : vector<1024xf32>
    %reduce_min3A_15 = vector.multi_reduction <minimumf>, %sub3A, %reduce_min3A [1] : vector<1024x2048xf32> to vector<1024xf32>
    %broadcast_in_dim3A_16 = vector.shape_cast %reduce_min3A_15 : vector<1024xf32> to vector<1024x1xf32>
    %eq3A = vector.broadcast %broadcast_in_dim3A_16 : vector<1024x1xf32> to vector<1024x2048xf32>
    %eq3A_17 = arith.cmpf oeq, %sub3A, %eq3A : vector<1024x2048xf32>
    %jit3A = arith.constant 2048 : i32
    %broadcast_in_dim3A_18 = vector.broadcast %jit3A : i32 to vector<1024x2048xi32>
    %select_n3A = arith.select %eq3A_17, %iota3A, %broadcast_in_dim3A_18 : vector<1024x2048xi1>, vector<1024x2048xi32>
    %reduce_min3A_19 = arith.constant dense<2147483647> : vector<1024xi32>
    %reduce_min3A_20 = vector.multi_reduction <minsi>, %select_n3A, %reduce_min3A_19 [1] : vector<1024x2048xi32> to vector<1024xi32>
    %broadcast_in_dim3A_21 = vector.shape_cast %reduce_min3A_20 : vector<1024xi32> to vector<1024x1xi32>
    %add3A_22 = arith.constant 0 : i32
    %add3A_23 = vector.broadcast %add3A_22 : i32 to vector<1024x1xi32>
    %add3A_24 = arith.addi %broadcast_in_dim3A_21, %add3A_23 : vector<1024x1xi32>
    %get3A_25 = arith.constant 2048 : index
    %get3A_26 = arith.constant 0 : index
    %get3A_27 = vector.load %arg2[%get3A_25, %get3A_26] : memref<8192x64xf32, #tpu.memory_space<vmem>>, vector<2048x64xf32>
    %get3A_28 = arith.constant 0 : index
    %get3A_29 = arith.constant 2048 : index
    %get3A_30 = vector.load %arg3[%get3A_28, %get3A_29] : memref<1x8192xf32, #tpu.memory_space<vmem>>, vector<1x2048xf32>
    %dot_general3A_31 = arith.constant dense<0.000000e+00> : vector<1024x2048xf32>
    %dot_general3A_32 = tpu.matmul %get3A_1, %get3A_27, %dot_general3A_31 {dimension_numbers = #tpu.dot_dimension_numbers<[1], [1], [0], [0], [0, 0, 1, 0], [], []>, transpose_lhs_hint = false} : vector<1024x64xf32>, vector<2048x64xf32>, vector<1024x2048xf32> -> vector<1024x2048xf32>
    %add3A_33 = vector.broadcast %broadcast_in_dim3A : vector<1024x1xf32> to vector<1024x2048xf32>
    %add3A_34 = vector.broadcast %get3A_30 : vector<1x2048xf32> to vector<1024x2048xf32>
    %add3A_35 = arith.addf %add3A_33, %add3A_34 : vector<1024x2048xf32>
    %mul3A_36 = arith.constant 2.000000e+00 : f32
    %mul3A_37 = vector.broadcast %mul3A_36 : f32 to vector<1024x2048xf32>
    %mul3A_38 = arith.mulf %mul3A_37, %dot_general3A_32 : vector<1024x2048xf32>
    %sub3A_39 = arith.subf %add3A_35, %mul3A_38 : vector<1024x2048xf32>
    %reduce_min3A_40 = arith.constant dense<0x7F800000> : vector<1024xf32>
    %reduce_min3A_41 = vector.multi_reduction <minimumf>, %sub3A_39, %reduce_min3A_40 [1] : vector<1024x2048xf32> to vector<1024xf32>
    %broadcast_in_dim3A_42 = vector.shape_cast %reduce_min3A_41 : vector<1024xf32> to vector<1024x1xf32>
    %eq3A_43 = vector.broadcast %broadcast_in_dim3A_42 : vector<1024x1xf32> to vector<1024x2048xf32>
    %eq3A_44 = arith.cmpf oeq, %sub3A_39, %eq3A_43 : vector<1024x2048xf32>
    %jit3A_45 = arith.constant 2048 : i32
    %broadcast_in_dim3A_46 = vector.broadcast %jit3A_45 : i32 to vector<1024x2048xi32>
    %select_n3A_47 = arith.select %eq3A_44, %iota3A, %broadcast_in_dim3A_46 : vector<1024x2048xi1>, vector<1024x2048xi32>
    %reduce_min3A_48 = arith.constant dense<2147483647> : vector<1024xi32>
    %reduce_min3A_49 = vector.multi_reduction <minsi>, %select_n3A_47, %reduce_min3A_48 [1] : vector<1024x2048xi32> to vector<1024xi32>
    %broadcast_in_dim3A_50 = vector.shape_cast %reduce_min3A_49 : vector<1024xi32> to vector<1024x1xi32>
    %add3A_51 = arith.constant 2048 : i32
    %add3A_52 = vector.broadcast %add3A_51 : i32 to vector<1024x1xi32>
    %add3A_53 = arith.addi %broadcast_in_dim3A_50, %add3A_52 : vector<1024x1xi32>
    %lt3A = arith.cmpf olt, %broadcast_in_dim3A_42, %broadcast_in_dim3A_16 : vector<1024x1xf32>
    %select_n3A_54 = arith.select %lt3A, %broadcast_in_dim3A_42, %broadcast_in_dim3A_16 : vector<1024x1xi1>, vector<1024x1xf32>
    %select_n3A_55 = arith.select %lt3A, %add3A_53, %add3A_24 : vector<1024x1xi1>, vector<1024x1xi32>
    %get3A_56 = arith.constant 4096 : index
    %get3A_57 = arith.constant 0 : index
    %get3A_58 = vector.load %arg2[%get3A_56, %get3A_57] : memref<8192x64xf32, #tpu.memory_space<vmem>>, vector<2048x64xf32>
    %get3A_59 = arith.constant 0 : index
    %get3A_60 = arith.constant 4096 : index
    %get3A_61 = vector.load %arg3[%get3A_59, %get3A_60] : memref<1x8192xf32, #tpu.memory_space<vmem>>, vector<1x2048xf32>
    %dot_general3A_62 = arith.constant dense<0.000000e+00> : vector<1024x2048xf32>
    %dot_general3A_63 = tpu.matmul %get3A_1, %get3A_58, %dot_general3A_62 {dimension_numbers = #tpu.dot_dimension_numbers<[1], [1], [0], [0], [0, 0, 1, 0], [], []>, transpose_lhs_hint = false} : vector<1024x64xf32>, vector<2048x64xf32>, vector<1024x2048xf32> -> vector<1024x2048xf32>
    %add3A_64 = vector.broadcast %broadcast_in_dim3A : vector<1024x1xf32> to vector<1024x2048xf32>
    %add3A_65 = vector.broadcast %get3A_61 : vector<1x2048xf32> to vector<1024x2048xf32>
    %add3A_66 = arith.addf %add3A_64, %add3A_65 : vector<1024x2048xf32>
    %mul3A_67 = arith.constant 2.000000e+00 : f32
    %mul3A_68 = vector.broadcast %mul3A_67 : f32 to vector<1024x2048xf32>
    %mul3A_69 = arith.mulf %mul3A_68, %dot_general3A_63 : vector<1024x2048xf32>
    %sub3A_70 = arith.subf %add3A_66, %mul3A_69 : vector<1024x2048xf32>
    %reduce_min3A_71 = arith.constant dense<0x7F800000> : vector<1024xf32>
    %reduce_min3A_72 = vector.multi_reduction <minimumf>, %sub3A_70, %reduce_min3A_71 [1] : vector<1024x2048xf32> to vector<1024xf32>
    %broadcast_in_dim3A_73 = vector.shape_cast %reduce_min3A_72 : vector<1024xf32> to vector<1024x1xf32>
    %eq3A_74 = vector.broadcast %broadcast_in_dim3A_73 : vector<1024x1xf32> to vector<1024x2048xf32>
    %eq3A_75 = arith.cmpf oeq, %sub3A_70, %eq3A_74 : vector<1024x2048xf32>
    %jit3A_76 = arith.constant 2048 : i32
    %broadcast_in_dim3A_77 = vector.broadcast %jit3A_76 : i32 to vector<1024x2048xi32>
    %select_n3A_78 = arith.select %eq3A_75, %iota3A, %broadcast_in_dim3A_77 : vector<1024x2048xi1>, vector<1024x2048xi32>
    %reduce_min3A_79 = arith.constant dense<2147483647> : vector<1024xi32>
    %reduce_min3A_80 = vector.multi_reduction <minsi>, %select_n3A_78, %reduce_min3A_79 [1] : vector<1024x2048xi32> to vector<1024xi32>
    %broadcast_in_dim3A_81 = vector.shape_cast %reduce_min3A_80 : vector<1024xi32> to vector<1024x1xi32>
    %add3A_82 = arith.constant 4096 : i32
    %add3A_83 = vector.broadcast %add3A_82 : i32 to vector<1024x1xi32>
    %add3A_84 = arith.addi %broadcast_in_dim3A_81, %add3A_83 : vector<1024x1xi32>
    %get3A_85 = arith.constant 6144 : index
    %get3A_86 = arith.constant 0 : index
    %get3A_87 = vector.load %arg2[%get3A_85, %get3A_86] : memref<8192x64xf32, #tpu.memory_space<vmem>>, vector<2048x64xf32>
    %get3A_88 = arith.constant 0 : index
    %get3A_89 = arith.constant 6144 : index
    %get3A_90 = vector.load %arg3[%get3A_88, %get3A_89] : memref<1x8192xf32, #tpu.memory_space<vmem>>, vector<1x2048xf32>
    %dot_general3A_91 = arith.constant dense<0.000000e+00> : vector<1024x2048xf32>
    %dot_general3A_92 = tpu.matmul %get3A_1, %get3A_87, %dot_general3A_91 {dimension_numbers = #tpu.dot_dimension_numbers<[1], [1], [0], [0], [0, 0, 1, 0], [], []>, transpose_lhs_hint = false} : vector<1024x64xf32>, vector<2048x64xf32>, vector<1024x2048xf32> -> vector<1024x2048xf32>
    %add3A_93 = vector.broadcast %broadcast_in_dim3A : vector<1024x1xf32> to vector<1024x2048xf32>
    %add3A_94 = vector.broadcast %get3A_90 : vector<1x2048xf32> to vector<1024x2048xf32>
    %add3A_95 = arith.addf %add3A_93, %add3A_94 : vector<1024x2048xf32>
    %mul3A_96 = arith.constant 2.000000e+00 : f32
    %mul3A_97 = vector.broadcast %mul3A_96 : f32 to vector<1024x2048xf32>
    %mul3A_98 = arith.mulf %mul3A_97, %dot_general3A_92 : vector<1024x2048xf32>
    %sub3A_99 = arith.subf %add3A_95, %mul3A_98 : vector<1024x2048xf32>
    %reduce_min3A_100 = arith.constant dense<0x7F800000> : vector<1024xf32>
    %reduce_min3A_101 = vector.multi_reduction <minimumf>, %sub3A_99, %reduce_min3A_100 [1] : vector<1024x2048xf32> to vector<1024xf32>
    %broadcast_in_dim3A_102 = vector.shape_cast %reduce_min3A_101 : vector<1024xf32> to vector<1024x1xf32>
    %eq3A_103 = vector.broadcast %broadcast_in_dim3A_102 : vector<1024x1xf32> to vector<1024x2048xf32>
    %eq3A_104 = arith.cmpf oeq, %sub3A_99, %eq3A_103 : vector<1024x2048xf32>
    %jit3A_105 = arith.constant 2048 : i32
    %broadcast_in_dim3A_106 = vector.broadcast %jit3A_105 : i32 to vector<1024x2048xi32>
    %select_n3A_107 = arith.select %eq3A_104, %iota3A, %broadcast_in_dim3A_106 : vector<1024x2048xi1>, vector<1024x2048xi32>
    %reduce_min3A_108 = arith.constant dense<2147483647> : vector<1024xi32>
    %reduce_min3A_109 = vector.multi_reduction <minsi>, %select_n3A_107, %reduce_min3A_108 [1] : vector<1024x2048xi32> to vector<1024xi32>
    %broadcast_in_dim3A_110 = vector.shape_cast %reduce_min3A_109 : vector<1024xi32> to vector<1024x1xi32>
    %add3A_111 = arith.constant 6144 : i32
    %add3A_112 = vector.broadcast %add3A_111 : i32 to vector<1024x1xi32>
    %add3A_113 = arith.addi %broadcast_in_dim3A_110, %add3A_112 : vector<1024x1xi32>
    %lt3A_114 = arith.cmpf olt, %broadcast_in_dim3A_102, %broadcast_in_dim3A_73 : vector<1024x1xf32>
    %select_n3A_115 = arith.select %lt3A_114, %broadcast_in_dim3A_102, %broadcast_in_dim3A_73 : vector<1024x1xi1>, vector<1024x1xf32>
    %select_n3A_116 = arith.select %lt3A_114, %add3A_113, %add3A_84 : vector<1024x1xi1>, vector<1024x1xi32>
    %convert_element_type3A = arith.truncf %select_n3A_54 : vector<1024x1xf32> to vector<1024x1xbf16>
    %convert_element_type3A_117 = arith.extf %convert_element_type3A : vector<1024x1xbf16> to vector<1024x1xf32>
    %lt3A_118 = arith.cmpf olt, %select_n3A_115, %convert_element_type3A_117 : vector<1024x1xf32>
    %select_n3A_119 = arith.select %lt3A_118, %select_n3A_116, %select_n3A_55 : vector<1024x1xi1>, vector<1024x1xi32>
    %select_n3A_120 = arith.select %lt3A_118, %select_n3A_115, %select_n3A_54 : vector<1024x1xi1>, vector<1024x1xf32>
    %swap3A = arith.constant 0 : index
    %swap3A_121 = arith.constant 0 : index
    %swap3A_122 = vector.load %arg4[%swap3A, %swap3A_121] : memref<1024x1xi32, #tpu.memory_space<vmem>>, vector<1024x1xi32>
    tpu.vector_store %arg4[%swap3A, %swap3A_121], %select_n3A_119 {strides = array<i32>} : memref<1024x1xi32, #tpu.memory_space<vmem>>, vector<1024x1xi32>,
    %eq3A_123 = arith.constant 0 : i32
    %eq3A_124 = arith.cmpi eq, %arg0, %eq3A_123 : i32
    %convert_element_type3A_125 = arith.extui %eq3A_124 : i1 to i32
    %cond3A = arith.constant 0 : i32
    %cond3A_126 = arith.cmpi ne, %convert_element_type3A_125, %cond3A : i32
    scf.if %cond3A_126 {
      %broadcast_in_dim3A_140 = arith.constant 0.000000e+00 : f32
      %broadcast_in_dim3A_141 = vector.broadcast %broadcast_in_dim3A_140 : f32 to vector<1x1xf32>
      %swap3A_142 = arith.constant 0 : index
      %swap3A_143 = arith.constant 0 : index
      %swap3A_144 = vector.load %arg5[%swap3A_142, %swap3A_143] : memref<1x1xf32, #tpu.memory_space<vmem>>, vector<1x1xf32>
      tpu.vector_store %arg5[%swap3A_142, %swap3A_143], %broadcast_in_dim3A_141 {strides = array<i32>} : memref<1x1xf32, #tpu.memory_space<vmem>>, vector<1x1xf32>,
    } else {
    }
    %get3A_127 = arith.constant 0 : index
    %get3A_128 = arith.constant 0 : index
    %get3A_129 = vector.load %arg5[%get3A_127, %get3A_128] : memref<1x1xf32, #tpu.memory_space<vmem>>, vector<1x1xf32>
    %reduce_sum3A_130 = vector.shape_cast %select_n3A_120 : vector<1024x1xf32> to vector<1x1024x1xf32>
    %reduce_sum3A_131 = arith.constant dense<0.000000e+00> : vector<1xf32>
    %reduce_sum3A_132 = vector.multi_reduction <add>, %reduce_sum3A_130, %reduce_sum3A_131 [1, 2] : vector<1x1024x1xf32> to vector<1xf32>
    %reduce_sum3A_133 = vector.shape_cast %reduce_sum3A_132 : vector<1xf32> to vector<1x1x1xf32>
    %reduce_sum3A_134 = vector.extract %reduce_sum3A_133[0, 0, 0] : f32 from vector<1x1x1xf32>
    %broadcast_in_dim3A_135 = vector.broadcast %reduce_sum3A_134 : f32 to vector<1x1xf32>
    %add3A_136 = arith.addf %get3A_129, %broadcast_in_dim3A_135 : vector<1x1xf32>
    %swap3A_137 = arith.constant 0 : index
    %swap3A_138 = arith.constant 0 : index
    %swap3A_139 = vector.load %arg5[%swap3A_137, %swap3A_138] : memref<1x1xf32, #tpu.memory_space<vmem>>, vector<1x1xf32>
    tpu.vector_store %arg5[%swap3A_137, %swap3A_138], %add3A_136 {strides = array<i32>} : memref<1x1xf32, #tpu.memory_space<vmem>>, vector<1x1xf32>,
    return
  }
  func.func @transform_0(%arg0: i32) -> (i32, i32) {
    %c0_i32 = arith.constant 0 : i32
    %c0_i32_0 = arith.constant 0 : i32
    return %arg0, %c0_i32 : i32, i32
  }
  func.func @transform_1(%arg0: i32) -> (i32, i32) {
    %c0_i32 = arith.constant 0 : i32
    %c0_i32_0 = arith.constant 0 : i32
    %c0_i32_1 = arith.constant 0 : i32
    return %c0_i32, %c0_i32_0 : i32, i32
  }
  func.func @transform_2(%arg0: i32) -> (i32, i32) {
    %c0_i32 = arith.constant 0 : i32
    %c0_i32_0 = arith.constant 0 : i32
    %c0_i32_1 = arith.constant 0 : i32
    return %c0_i32, %c0_i32_0 : i32, i32
  }
  func.func @transform_3(%arg0: i32) -> (i32, i32) {
    %c0_i32 = arith.constant 0 : i32
    %c0_i32_0 = arith.constant 0 : i32
    return %arg0, %c0_i32 : i32, i32
  }
  func.func @transform_4(%arg0: i32) -> (i32, i32) {
    %c0_i32 = arith.constant 0 : i32
    %c0_i32_0 = arith.constant 0 : i32
    %c0_i32_1 = arith.constant 0 : i32
    return %c0_i32, %c0_i32_0 : i32, i32
  }
}

</mosaic_0001>

<sc_bundles>
// kernel: kernel.4.cloned.1.call-start
scs
__scs_entry_jumppad:
0x0: {  	(pc) =	sbr.rel $0x88, $3  }
0x1: {  	(tag) =	ssettag $0x0;
	lr =	simm.s32 $0x1  }
0x2: {  	[smem:$0x3F9F] =	sst lr;
	_ =	strace $0xD0000000  }
0x3: {  	_ = 	snop  }
0x4: {  	_ = 	snop  }
0x5: {  	_ = 	snop  }
0x6: {  	_ = 	snop  }
0x7: {  	_ = 	snop  }
__scs_overlays_trampoline_lowered:
0x8: {  	[smem:$0x3FAE] =	sst s0  }
0x9: {  	[smem:$0x3FAF] =	sst s1  }
0xa: {  	[smem:$0x3FB0] =	sst s2  }
0xb: {  	[smem:$0x3FB1] =	sst s3  }
0xc: {  	[smem:$0x3FB2] =	sst s4  }
0xd: {  	[smem:$0x3FB3] =	sst s5  }
0xe: {  	[smem:$0x3FB4] =	sst s6  }
0xf: {  	[smem:$0x3FB5] =	sst s7  }
0x10: {  	[smem:$0x3FB6] =	sst s8  }
0x11: {  	[smem:$0x3FB7] =	sst s9;
	s0 =	simm.s32 @!p0 $0x0  }
0x12: {  	s1 =	sld [smem:$0x3F9D];
	s0 =	simm.s32 @p0 $0x1  }
0x13: {  	[smem:$0x3FB8] =	sst s0;
	s0 =	simm.s32 @!p1 $0x0  }
0x14: {  	s2 =	sld [smem:$0x3F9C];
	s0 =	simm.s32 @p1 $0x1  }
0x15: {  	[smem:$0x3FB9] =	sst s0;
	s0 =	simm.s32 @!p2 $0x0  }
0x16: {  	s3 =	sld [smem:$0x3FDB];
	s0 =	simm.s32 @p2 $0x1  }
0x17: {  	s4 =	simm.s32 $0x1BF5;
	[smem:$0x3FBB] =	sst s0  }
0x18: {  	s0 =	sld [smem:$0x3F9E];
	_ =	swait.ge [sflag:s4], $0x0  }
0x19: {  	s7 =	sld [smem:$0x3F9F]  }
0x1a: {  	s8 =	sadd.s32 $0xFFFFE003, lr  }
0x1b: {  	s9 =	sadd.s32 $0xFFFFFEF7, lr;
	s5 =	simm.s32 $0xFFFFFFFF;
	p2 =	slt.u32 s8, $0xFFFFF086  }
0x1c: {  	p1 =	slt.u32 s9, $0xF7A;
	s5 =	simm.s32 @!p2 $0x0  }
0x1d: {  	s5 =	simm.s32 @p1 $0x1;
	p0 =	seq.s32 s7, s2  }
0x1e: {  	s7 =	smul.u32 @!p0 $0xF7A, s2;
	p2 =	seq.s32 @!p0 s5, $0x0  }
0x1f: {  	s9 =	smul.u32 $0xF7A, s1;
	s8 =	simm.s32 @!p0 $0x1BF5;
	p2 =	por !p2, p0  }
0x20: {  	[sflag:s8] =	ssyncset.s32 @!p0 $0xFFFFF086;
	s6 =	sadd.s32 @!p0 s3, s7;
	s7 =	simm.s32 @!p0 $0x108  }
0x21: {  	s3 =	sadd.s32 s3, s9;
	s6 =	sadd.s32 @!p0 $0x88, s6;
	s7 =	simm.s32 @p2 $0x1082  }
0x22: {  	[simem:s7], [sflag:s8] =	dma.local @!p0 [hbm:s6], $0xF7A  }
0x23: {  	s9 =	sor.u32 $0xD0000000, s2;
	s6 =	simm.s32 $0x108;
	_ =	swait.ge @!p0 [sflag:s8], $0x0  }
0x24: {  	s3 =	sadd.s32 $0x88, s3;
	s6 =	simm.s32 @!p1 $0x1082;
	[sflag:s4] =	ssyncset.s32 $0xFFFFF086  }
0x25: {  	[simem:s6], [sflag:s4] =	dma.local [hbm:s3], $0xF7A  }
0x26: {  	[smem:$0x3F9F] =	sst s1;
	(tag) =	ssettag s2;
	_ =	strace s9  }
0x27: {  	s1 =	sld [smem:$0x3FAF]  }
0x28: {  	s2 =	sld [smem:$0x3FB0]  }
0x29: {  	s4 =	sld [smem:$0x3FB2]  }
0x2a: {  	p0 =	seq.s32 s5, $0x0;
	s5 =	sld [smem:$0x3FB3]  }
0x2b: {  	s6 =	sld [smem:$0x3FB4]  }
0x2c: {  	s7 =	sld [smem:$0x3FB5]  }
0x2d: {  	s3 =	simm.s32 $0x108;
	s8 =	sld [smem:$0x3FB6]  }
0x2e: {  	s3 =	simm.s32 @!p0 $0x1082;
	s9 =	sld [smem:$0x3FB7]  }
0x2f: {  	lr =	sadd.s32 s0, s3;
	s0 =	sld [smem:$0x3FAE]  }
0x30: {  	s3 =	sld [smem:$0x3FB1]  }
0x31: {  	[smem:$0x3FBA] =	sst s10  }
0x32: {  	s10 =	sld [smem:$0x3FB8];
	_ =	sdelay $0x3  }
0x33: {  	p0 =	seq.s32 s10, $0x1;
	s10 =	sld [smem:$0x3FBA];
	_ =	sdelay $0x3  }
0x34: {  	[smem:$0x3FBA] =	sst s10  }
0x35: {  	s10 =	sld [smem:$0x3FB9];
	_ =	sdelay $0x3  }
0x36: {  	p1 =	seq.s32 s10, $0x1;
	s10 =	sld [smem:$0x3FBA];
	_ =	sdelay $0x3  }
0x37: {  	[smem:$0x3FBA] =	sst s10  }
0x38: {  	s10 =	sld [smem:$0x3FBB]  }
0x39: {  	_ = 	snop;
	(pc) =	sbr.ind lr, $3  }
0x3a: {  	_ = 	snop  }
0x3b: {  	_ = 	snop  }
0x3c: {  	p2 =	seq.s32 s10, $0x1;
	s10 =	sld [smem:$0x3FBA]  }
0x3d: {  	_ =	shalt  }
0x3e: {  	_ =	shalt  }
0x3f: {  	_ =	shalt  }
0x40: {  	_ =	shalt  }
0x41: {  	_ =	shalt  }
0x42: {  	_ =	shalt  }
0x43: {  	_ =	shalt  }
0x44: {  	_ =	shalt  }
0x45: {  	_ =	shalt  }
0x46: {  	_ =	shalt  }
0x47: {  	_ =	shalt  }
0x48: {  	_ =	shalt  }
0x49: {  	_ =	shalt  }
0x4a: {  	_ =	shalt  }
0x4b: {  	_ =	shalt  }
0x4c: {  	_ =	shalt  }
0x4d: {  	_ =	shalt  }
0x4e: {  	_ =	shalt  }
0x4f: {  	_ =	shalt  }
0x50: {  	_ =	shalt  }
0x51: {  	_ =	shalt  }
0x52: {  	_ =	shalt  }
0x53: {  	_ =	shalt  }
0x54: {  	_ =	shalt  }
0x55: {  	_ =	shalt  }
0x56: {  	_ =	shalt  }
0x57: {  	_ =	shalt  }
0x58: {  	_ =	shalt  }
0x59: {  	_ =	shalt  }
0x5a: {  	_ =	shalt  }
0x5b: {  	_ =	shalt  }
0x5c: {  	_ =	shalt  }
0x5d: {  	_ =	shalt  }
0x5e: {  	_ =	shalt  }
0x5f: {  	_ =	shalt  }
0x60: {  	_ =	shalt  }
0x61: {  	_ =	shalt  }
0x62: {  	_ =	shalt  }
0x63: {  	_ =	shalt  }
0x64: {  	_ =	shalt  }
0x65: {  	_ =	shalt  }
0x66: {  	_ =	shalt  }
0x67: {  	_ =	shalt  }
0x68: {  	_ =	shalt  }
0x69: {  	_ =	shalt  }
0x6a: {  	_ =	shalt  }
0x6b: {  	_ =	shalt  }
0x6c: {  	_ =	shalt  }
0x6d: {  	_ =	shalt  }
0x6e: {  	_ =	shalt  }
0x6f: {  	_ =	shalt  }
0x70: {  	_ =	shalt  }
0x71: {  	_ =	shalt  }
0x72: {  	_ =	shalt  }
0x73: {  	_ =	shalt  }
0x74: {  	_ =	shalt  }
0x75: {  	_ =	shalt  }
0x76: {  	_ =	shalt  }
0x77: {  	_ =	shalt  }
0x78: {  	_ =	shalt  }
0x79: {  	_ =	shalt  }
0x7a: {  	_ =	shalt  }
0x7b: {  	_ =	shalt  }
0x7c: {  	_ =	shalt  }
0x7d: {  	_ =	shalt  }
0x7e: {  	_ =	shalt  }
0x7f: {  	_ =	shalt  }
0x80: {  	_ =	shalt  }
0x81: {  	_ =	shalt  }
0x82: {  	_ =	shalt  }
0x83: {  	_ =	shalt  }
0x84: {  	_ =	shalt  }
0x85: {  	_ =	shalt  }
0x86: {  	_ =	shalt  }
0x87: {  	_ =	shalt  }
.Lfunc_end0:
.L_simem_size_0:
called_computation_lowered:
.L_overlay_start_0:
0x88: {  	s2 =	sld [smem:$0x3FD9]  }
0x89: {  	s3 =	sld [smem:$0x3FFE];
	_ =	sdelay $0x1  }
0x8a: {  	s1 =	srdreg.scid  }
0x8b: {  	s0 =	sand.u32 $0x1, s1  }
0x8c: {  	s14 =	sshll.u32 s0, $0xA;
	s2 =	sadd.s32 s3, s2  }
0x8d: {  	s2 =	sadd.s32 s2, s14  }
0x8e: {  	[smem:$0x3FC6] =	sst s2  }
0x8f: {  	_ = 	snop  }
0x90: {  	s2 =	sld [smem:$0x3FD0];
	_ =	sdelay $0x2  }
0x91: {  	s15 =	simm.s32 $0xA;
	s4 =	simm.s32 $0x10  }
0x92: {  	[smem:s4], [sflag:s15] =	dma.local [hbm:s2], $0x1  }
0x93: {  	_ =	swait.eq [sflag:s15], $0x1  }
0x94: {  	[sflag:s15] =	ssyncset.done $0x0  }
0x95: {  	s16 =	sld [smem:$0x10];
	[sflag:s15] =	ssyncadd.s32 $0xFFFFFFFF  }
0x96: {  	s17 =	sld [smem:$0x12];
	(tm) =	ssettm $0x1  }
0x97: {  	s18 =	sld [smem:$0x3FFB];
	_ =	sdelay $0x3  }
0x98: {  	_ =	strace s18  }
0x99: {  	s4 =	sld [smem:$0x3FFC];
	_ =	sdelay $0x3  }
0x9a: {  	_ =	strace s4  }
0x9b: {  	s4 =	sld [smem:$0x3FFD];
	_ =	sdelay $0x3  }
0x9c: {  	_ =	strace s4  }
0x9d: {  	_ =	strace $0x8FFFFFFF  }
0x9e: {  	s19 =	sld [smem:$0x3FDB];
	_ =	sdelay $0x1  }
0x9f: {  	s5 =	simm.s32 $_scs_section_size  }
0xa0: {  	s6 =	simm.s32 $_size__tile_overlayer_lowered;
	s7 =	simm.s32 $_tile_overlayer_lowered  }
0xa1: {  	s22 =	simm.s32 $0x1BFF;
	s21 =	sshll.u32 s7, $0x1;
	s4 =	sadd.s32 s5, s19  }
0xa2: {  	s8 =	simm.s32 $0x0;
	s20 =	sshll.u32 s6, $0x1;
	s6 =	sadd.s32 s21, s4  }
0xa3: {  	[timem:s8], [sflag:s22] =	dma.local [hbm:s6], s20  }
0xa4: {  	_ =	swait.ge [sflag:s22], s20  }
0xa5: {  	s5 =	ssub.s32 $0x0, s20;
	[sflag:s22] =	ssyncset.done $0x0  }
0xa6: {  	[sflag:s22] =	ssyncadd.s32 s5;
	_ =	sdelay $0x1  }
0xa7: {  	s23 =	simm.s32 $0x1B8B  }
0xa8: {  	_ =	swait.ge [sflag:s23], $0x1  }
0xa9: {  	[sflag:s23] =	ssyncset.done $0x0  }
0xaa: {  	s25 =	simm.s32 $0x1B8E;
	s24 =	sld [smem:$0x3FFE];
	[sflag:s23] =	ssyncadd.s32 $0xFFFFFFFF  }
0xab: {  	s26 =	simm.s32 $execute0_lowered;
	[smem:$0x3FD2] =	sst s25  }
0xac: {  	s6 =	sshll.u32 s26, $0x1;
	_ =	strace $0x80000046;
	[dreg:$0x1] =	wrdreg $0xFFFFFFFF  }
0xad: {  	s28 =	simm.s32 $_size_execute0_lowered;
	s4 =	sadd.s32 s4, s6;
	[dreg:$0x0] =	wrdreg $0x0  }
0xae: {  	s6 =	sshll.u32 s28, $0x1;
	[dreg:$0x2] =	wrdreg s4  }
0xaf: {  	[dreg:$0x3] =	wrdreg s6  }
0xb0: {  	[dreg:$0x4] =	wrdreg $0xC0  }
0xb1: {  	_ =	task [dreg:s8], $0x5FFFF  }
0xb2: {  	[dreg:$0x1] =	wrdreg $0xFFFFFFFF  }
0xb3: {  	[dreg:$0x0] =	wrdreg $0x60  }
0xb4: {  	[dreg:$0x2] =	wrdreg s24  }
0xb5: {  	[dreg:$0x3] =	wrdreg s17  }
0xb6: {  	[dreg:$0x4] =	wrdreg s16  }
0xb7: {  	[dreg:$0x5] =	wrdreg $0x9  }
0xb8: {  	_ =	task.clear_ibuf [dreg:s8], $0x6FFFF;
	_ =	strace $0x90000046  }
0xb9: {  	s29 =	simm.s32 $0x9;
	_ =	strace $0x80000048  }
0xba: {  	_ =	swait.ge [sflag:s29], $0x1  }
0xbb: {  	[sflag:s29] =	ssyncadd.s32 $0xFFFFFFFF  }
0xbc: {  	_ =	strace $0x90000048  }
0xbd: {  	_ =	sfence  }
0xbe: {  	s30 =	sld [smem:$0x0];
	_ =	sdelay $0x2  }
0xbf: {  	s31 =	sshll.u32 s1, $0xD;
	s1 =	sshrl.u32 s1, $0x2  }
0xc0: {  	s3 =	sand.u32 $0x4000, s31;
	s1 =	sadd.s32 s1, s30  }
0xc1: {  	s0 =	sor.u32 s3, s0;
	s1 =	sshll.u32 s1, $0x11  }
0xc2: {  	s0 =	sor.u32 s1, s0  }
0xc3: {  	s0 =	sadd.s32 $0x8F2B, s0  }
0xc4: {  	[sflag:s0] =	ssyncadd.remote.s32 $0x1  }
0xc5: {  	_ =	sfence.sel $0xFFFF  }
0xc6: {  	[dreg:$0x0] =	wrdreg $0xFFFFFFFF;
	(pc) =	sbr.abs _section_cstart, $3  }
0xc7: {  	[dreg:$0x1] =	wrdreg $0xFFFFFFFF  }
0xc8: {  	_ =	task.clear_ibuf [dreg:s8], $0x2FFFF;
	_ =	strace $0x9FFFFFFF  }
0xc9: {  	(tm) =	ssettm $0x7FFFFFFF  }
tec
execute0_lowered:
.L_overlay_start_1:
0x0: {  	(tag) =	ssettag $0x1  }
0x1: {  	s2 =	rddreg [dreg:$0x0]  }
0x2: {  	s4 =	rddreg [dreg:$0x1]  }
0x3: {  	s1 =	srdreg.scid;
	s0 =	stileid.u32  }
0x4: {  	s14 =	rddreg [dreg:$0x2];
	s15 =	sand.u32 $0x1, s1;
	s5 =	sshll.u32 s0, $0x1  }
0x5: {  	s3 =	simm.s32 $0x0;
	s1 =	rddreg [dreg:$0x3];
	s16 =	sor.u32 s15, s5  }
0x6: {  	[smem:$0x7FF] =	sst s3;
	s5 =	sshll.u32 s16, $0x6  }
0x7: {  	_ =	strace $0x80000047;
	s5 =	sadd.s32 s4, s5;
	s4 =	simm.s32 $0x2  }
0x8: {  	[tilespmem:s3], [sflag:$0x2] =	stream.linear.gather [hbm4b:s5+s3], $0x200, $0x38;
	[tilespmem:$0x8200] =	vst v63  }
0x9: {  	_ =	swait.ge [sflag:s4], $0x200  }
0xa: {  	[sflag:s4] =	ssyncset.done $0x0  }
0xb: {  	s6 =	simm.s32 $0x80;
	s7 =	simm.s32 $0x200;
	[sflag:s4] =	ssyncadd.s32 $0xFFFFFE00  }
0xc: {  	[tilespmem:s7], [sflag:$0x1] =	stream.indirect.gather [hbm4b:s2+s6], $0x40, s3, s6, $0xb8;
	[tilespmem:$0x8200] =	vst v63  }
0xd: {  	s8 =	simm.s32 $0x2200  }
0xe: {  	[tilespmem:s8], [sflag:$0x1] =	stream.indirect.gather [hbm4b:s2+s6], $0x40, s6, s6, $0xb8;
	[tilespmem:$0x8200] =	vst v63  }
0xf: {  	s9 =	simm.s32 $0x100;
	s10 =	simm.s32 $0x4200  }
0x10: {  	[tilespmem:s10], [sflag:$0x1] =	stream.indirect.gather [hbm4b:s2+s6], $0x40, s9, s6, $0xb8;
	[tilespmem:$0x8200] =	vst v63  }
0x11: {  	s11 =	simm.s32 $0x180;
	s12 =	simm.s32 $0x6200;
	s13 =	simm.s32 $0x1  }
0x12: {  	[tilespmem:s12], [sflag:$0x1] =	stream.indirect.gather [hbm4b:s2+s6], $0x40, s11, s6, $0xb8;
	[tilespmem:$0x8200] =	vst v63  }
0x13: {  	_ =	swait.ge [sflag:s13], $0x2000  }
0x14: {  	[sflag:s13] =	ssyncset.done $0x0  }
0x15: {  	[sflag:s13] =	ssyncadd.s32 $0xFFFFE000  }
0x16: {  	_ =	swait.ge [sflag:s13], $0x2000  }
0x17: {  	[sflag:s13] =	ssyncset.done $0x0  }
0x18: {  	s15 =	ssub.s32 $0x2, s15;
	[sflag:s13] =	ssyncadd.s32 $0xFFFFE000  }
0x19: {  	s17 =	sshrl.u32 s15, $0x1;
	_ =	swait.ge [sflag:s13], $0x2000  }
0x1a: {  	s15 =	ssub.s32 s15, s17;
	[sflag:s13] =	ssyncset.done $0x0  }
0x1b: {  	s15 =	smax.u32 s15, $0x1;
	[sflag:s13] =	ssyncadd.s32 $0xFFFFE000  }
0x1c: {  	p0 =	sne.s32 s15, $0x1;
	_ =	swait.ge [sflag:s13], $0x2000  }
.Ltmp0:
0x1d: {  	s16 =	sshll.u32 s16, $0xC;
	[sflag:s13] =	ssyncset.done $0x0;
	(pc) =	sbr.rel @!p0 .LBB2_2-.Ltmp0, $4  }
0x1e: {  	s14 =	sadd.s32 s14, s16;
	[sflag:s13] =	ssyncadd.s32 $0xFFFFE000  }
0x1f: {  	[hbm4b:s14+s3] =	stream.linear.scatter [tilespmem:s7], [sflag:$0x2], $0x8000, $0x38;
	[tilespmem:$0x8200] =	vst v63  }
0x20: {  	_ =	swait.ge [sflag:s4], $0x8000  }
0x21: {  	s15 =	sadd.s32 $0xFFFFFFFF, s15;
	[sflag:s4] =	ssyncset.done $0x0  }
.LBB2_1:
0x22: {  	p0 =	sne.s32 s15, $0x1;
	s15 =	sadd.s32 $0xFFFFFFFF, s15;
	[sflag:s4] =	ssyncadd.s32 $0xFFFF8000  }
0x23: {  	[tilespmem:s3], [sflag:$0x2] =	stream.linear.gather [hbm4b:s5+s3], $0x200, $0x38;
	[tilespmem:$0x8200] =	vst v63  }
0x24: {  	_ =	swait.ge [sflag:s4], $0x200  }
0x25: {  	[sflag:s4] =	ssyncset.done $0x0  }
0x26: {  	[sflag:s4] =	ssyncadd.s32 $0xFFFFFE00  }
0x27: {  	[tilespmem:s7], [sflag:$0x1] =	stream.indirect.gather [hbm4b:s2+s6], $0x40, s3, s6, $0xb8;
	[tilespmem:$0x8200] =	vst v63  }
0x28: {  	_ = 	snop  }
0x29: {  	[tilespmem:s8], [sflag:$0x1] =	stream.indirect.gather [hbm4b:s2+s6], $0x40, s6, s6, $0xb8;
	[tilespmem:$0x8200] =	vst v63  }
0x2a: {  	_ = 	snop  }
0x2b: {  	[tilespmem:s10], [sflag:$0x1] =	stream.indirect.gather [hbm4b:s2+s6], $0x40, s9, s6, $0xb8;
	[tilespmem:$0x8200] =	vst v63  }
0x2c: {  	_ = 	snop  }
0x2d: {  	[tilespmem:s12], [sflag:$0x1] =	stream.indirect.gather [hbm4b:s2+s6], $0x40, s11, s6, $0xb8;
	[tilespmem:$0x8200] =	vst v63  }
0x2e: {  	_ =	swait.ge [sflag:s13], $0x2000  }
0x2f: {  	[sflag:s13] =	ssyncset.done $0x0  }
0x30: {  	[sflag:s13] =	ssyncadd.s32 $0xFFFFE000  }
0x31: {  	_ =	swait.ge [sflag:s13], $0x2000  }
0x32: {  	[sflag:s13] =	ssyncset.done $0x0  }
0x33: {  	[sflag:s13] =	ssyncadd.s32 $0xFFFFE000  }
0x34: {  	_ =	swait.ge [sflag:s13], $0x2000  }
0x35: {  	[sflag:s13] =	ssyncset.done $0x0  }
0x36: {  	[sflag:s13] =	ssyncadd.s32 $0xFFFFE000  }
0x37: {  	_ =	swait.ge [sflag:s13], $0x2000  }
.Ltmp1:
0x38: {  	[sflag:s13] =	ssyncset.done $0x0;
	(pc) =	sbr.rel @p0 .LBB2_1-.Ltmp1, $4  }
0x39: {  	[sflag:s13] =	ssyncadd.s32 $0xFFFFE000  }
0x3a: {  	[hbm4b:s14+s3] =	stream.linear.scatter [tilespmem:s7], [sflag:$0x2], $0x8000, $0x38;
	[tilespmem:$0x8200] =	vst v63  }
0x3b: {  	_ =	swait.ge [sflag:s4], $0x8000  }
0x3c: {  	[sflag:s4] =	ssyncset.done $0x0  }
.LBB2_2:
0x3d: {  	[sflag:s4] =	ssyncadd.s32 $0xFFFF8000  }
0x3e: {  	_ =	sfence.sel $0x180000  }
0x3f: {  	[bflag:$0x0] =	sbarrier.arrive $0xFFFF  }
0x40: {  	p0 =	sne.s32 s0, $0x0;
	_ =	strace $0x90000047  }
0x41: {  	s0 =	sadd.s32 @!p0 $0x100000, s1;
	[bflag:$0x2] =	sbarrier.arrive $0xFFFF  }
0x42: {  	[sflag:s0] =	ssyncadd.tile.s32 @!p0 $0x1;
	_ =	shalt  }
.Lfunc_end2:
_tile_overlayer_lowered:
.L_overlay_start_2:
0x43: {  	(tag) =	ssettag $0x2  }
0x44: {  	s0 =	rddreg [dreg:$0x0];
	s2 =	stileid.u32  }
0x45: {  	s1 =	rddreg [dreg:$0x1];
	p0 =	sne.s32 s2, $0x0  }
0x46: {  	s3 =	rddreg [dreg:$0x2];
	[bflag:$0x3] =	sbarrier.arrive $0xFFFF;
	s2 =	simm.s32 @!p0 $0x1C02  }
0x47: {  	[timem:s3], [sflag:s2] =	dma.local @!p0 [hbm:s0], s1  }
0x48: {  	s0 =	simm.s32 @!p0 $0x2  }
0x49: {  	_ =	swait.ge @!p0 [sflag:s0], s1  }
0x4a: {  	s1 =	ssub.s32 @!p0 $0x0, s1;
	[sflag:s0] =	ssyncset.done @!p0 $0x0  }
0x4b: {  	[sflag:s0] =	ssyncadd.s32 @!p0 s1  }
0x4c: {  	[bflag:$0x3] =	sbarrier.arrive $0xFFFF  }
0x4d: {  	_ =	shalt  }

</sc_bundles>
